<compile_context>
chip_gen: v7x
topology: tpu7x:2x2x1
jax: 0.10.2.dev20260603
libtpu: 0.0.44.dev20260713+nightly
codegen_flags: <defaults>
</compile_context>

<pallas_src>
import functools

import jax
import jax.numpy as jnp
from jax import lax
from jax.experimental import pallas as pl
from jax.experimental.pallas import tpu as pltpu
from jax.experimental.pallas import tpu_sc as plsc

LOG_STD_MAX = 2.0
LOG_STD_MIN = -5.0
N, D, A, E = 8192, 1024, 64, 16
TM = 1024
NW = 32
RPW = N // NW


def _logits_kernel(x_ref, wr_ref, out_ref):
    out_ref[...] = jnp.dot(x_ref[...], wr_ref[...],
                           preferred_element_type=jnp.float32)


_sc_mesh = plsc.VectorSubcoreMesh(core_axis_name="c", subcore_axis_name="s")


@functools.partial(
    pl.kernel,
    out_type=jax.ShapeDtypeStruct((N, E), jnp.float32),
    mesh=_sc_mesh,
    scratch_types=[
        pltpu.VMEM((RPW, E), jnp.float32),
        pltpu.VMEM((RPW, E), jnp.float32),
    ],
)
def _sc_router(logits_hbm, sp_hbm, blk_v, out_v):
    wid = lax.axis_index("s") * 2 + lax.axis_index("c")
    base = wid * RPW
    pltpu.sync_copy(logits_hbm.at[pl.ds(base, RPW)], blk_v)

    iota = lax.iota(jnp.int32, E)
    rots = [jnp.bitwise_and(iota + sh, E - 1) for sh in (1, 2, 4, 8)]

    def allreduce(v, op):
        for idx in rots:
            v = op(v, v.at[idx].get(mode="promise_in_bounds"))
        return v

    def body(i, carry):
        v = blk_v[i]
        m1 = allreduce(v, jnp.maximum)
        rem = jnp.where(v == m1, -jnp.inf, v)
        m2 = allreduce(rem, jnp.maximum)
        sel = v >= m2
        ex = jnp.exp(v - m1)
        s = allreduce(ex, jnp.add)
        out_v[i] = jnp.where(sel, ex / s, jnp.float32(0.0))
        return carry

    lax.fori_loop(0, RPW, body, 0)
    pltpu.sync_copy(out_v, sp_hbm.at[pl.ds(base, RPW)])


def _main_kernel(x_ref, sp_ref, expand_ref, wmf_ref, wsf_ref,
                 mean_ref, ls_ref):
    x = x_ref[...]
    xb = x.astype(jnp.bfloat16)
    spx = jnp.dot(sp_ref[...], expand_ref[...],
                  preferred_element_type=jnp.float32)

    def head(w_ref):
        z = jnp.dot(xb, w_ref[...], preferred_element_type=jnp.float32)
        y = z * spx
        for h in (512, 256, 128, 64):
            y = y[:, :h] + y[:, h:]
        return y

    ym = head(wmf_ref)
    ys = head(wsf_ref)
    t = jnp.tanh(ys)
    mean_ref[...] = ym
    ls_ref[...] = LOG_STD_MIN + 0.5 * (LOG_STD_MAX - LOG_STD_MIN) * (t + 1.0)


def kernel(x, Wr, br, Wm, bm, Ws, bs, router_noise=False):
    x = x.astype(jnp.float32)
    wmf = jnp.transpose(Wm.astype(jnp.bfloat16), (1, 0, 2)).reshape(D, E * A)
    wsf = jnp.transpose(Ws.astype(jnp.bfloat16), (1, 0, 2)).reshape(D, E * A)
    expand = jnp.repeat(jnp.eye(E, dtype=jnp.float32), A, axis=1)

    logits = pl.pallas_call(
        _logits_kernel,
        grid=(N // TM,),
        in_specs=[
            pl.BlockSpec((TM, D), lambda i: (i, 0)),
            pl.BlockSpec((D, E), lambda i: (0, 0)),
        ],
        out_specs=pl.BlockSpec((TM, E), lambda i: (i, 0)),
        out_shape=jax.ShapeDtypeStruct((N, E), jnp.float32),
    )(x, Wr.astype(jnp.float32))

    sp = _sc_router(logits)

    mean, ls = pl.pallas_call(
        _main_kernel,
        grid=(N // TM,),
        in_specs=[
            pl.BlockSpec((TM, D), lambda i: (i, 0)),
            pl.BlockSpec((TM, E), lambda i: (i, 0)),
            pl.BlockSpec((E, E * A), lambda i: (0, 0)),
            pl.BlockSpec((D, E * A), lambda i: (0, 0)),
            pl.BlockSpec((D, E * A), lambda i: (0, 0)),
        ],
        out_specs=[
            pl.BlockSpec((TM, A), lambda i: (i, 0)),
            pl.BlockSpec((TM, A), lambda i: (i, 0)),
        ],
        out_shape=[
            jax.ShapeDtypeStruct((N, A), jnp.float32),
            jax.ShapeDtypeStruct((N, A), jnp.float32),
        ],
    )(x, sp, expand, wmf, wsf)
    return (mean, ls)

# --- scband reference (transcript-rebuilt; emitter-appended) ---
"""Pipeline reference for scband-actor-46497315947046 (READ-ONLY COPY).

The authoritative reference and input builder live on the scoring server;
editing this copy changes nothing except your own understanding.
"""

import jax, jax.numpy as jnp
import numpy as np

LOG_STD_MAX = 2.0
LOG_STD_MIN = -5.0
N, D, A, E, K = 8192, 1024, 64, 16, 2

def setup_inputs(seed: int = 0) -> dict:
    key = jax.random.key(seed)
    ks = jax.random.split(key, 6)
    x = jax.random.normal(ks[0], (N, D), dtype=jnp.float32)
    Wr = jax.random.normal(ks[1], (D, E), dtype=jnp.float32) * 0.02
    br = jnp.zeros((E,), dtype=jnp.float32)
    Wm = jax.random.normal(ks[2], (E, D, A), dtype=jnp.float32) * 0.02
    bm = jnp.zeros((E, A), dtype=jnp.float32)
    Ws = jax.random.normal(ks[3], (E, D, A), dtype=jnp.float32) * 0.02
    bs = jnp.zeros((E, A), dtype=jnp.float32)
    return {"x": x, "Wr": Wr, "br": br, "Wm": Wm, "bm": bm, "Ws": Ws, "bs": bs, "router_noise": False}

def reference(x, Wr, br, Wm, bm, Ws, bs, router_noise=False):
    x = x.astype(jnp.float32)
    router_logits = x @ Wr + br
    # router_noise=False path (deterministic eval)
    router_probs = jax.nn.softmax(router_logits, axis=-1)
    topk_probs, topk_idx = jax.lax.top_k(router_probs, K)
    rows = jnp.arange(router_probs.shape[0])[:, None]
    sparse_probs = jnp.zeros_like(router_probs).at[rows, topk_idx].set(topk_probs)
    # stack of per-expert linear outputs: [N, E, A]
    expert_outputs = jnp.einsum('nd,eda->nea', x, Wm) + bm[None, :, :]
    log_std_outputs = jnp.einsum('nd,eda->nea', x, Ws) + bs[None, :, :]
    mean = jnp.sum(expert_outputs * sparse_probs[:, :, None], axis=1)
    log_std = jnp.sum(log_std_outputs * sparse_probs[:, :, None], axis=1)
    log_std = jnp.tanh(log_std)
    log_std = LOG_STD_MIN + 0.5 * (LOG_STD_MAX - LOG_STD_MIN) * (log_std + 1.0)
    return (mean, log_std)

if __name__ == "__main__":
    import jax
    _d = setup_inputs()
    print(jax.jit(kernel)(*tuple(_d.values())))

</pallas_src>

<mosaic_0001>
#map = affine_map<(d0, d1) -> (0, 0)>
module attributes {stable_mosaic.version = 14 : i64} {
  func.func @_sc_router(%arg0: i32, %arg1: i32, %arg2: memref<8192x16xf32, #tpu.memory_space<hbm>>, %arg3: memref<8192x16xf32, #tpu.memory_space<hbm>>, %arg4: memref<256x16xf32, #tpu.memory_space<vmem>>, %arg5: memref<256x16xf32, #tpu.memory_space<vmem>>) attributes {dimension_semantics = [#tpu.dimension_semantics<core_parallel>, #tpu.dimension_semantics<subcore_parallel>], iteration_bounds = array<i64: 2, 16>, scalar_prefetch = 0 : i64, scratch_operands = 2 : i64, tpu.core_type = #tpu.core_type<sc_vector_subcore>, window_params = [{transform_indices = #map}, {transform_indices = #map}]} {
    %mul3A = arith.constant 2 : i32
    %mul3A_0 = arith.muli %arg1, %mul3A : i32
    %add3A = arith.addi %mul3A_0, %arg0 : i32
    %mul3A_1 = arith.constant 256 : i32
    %mul3A_2 = arith.muli %add3A, %mul3A_1 : i32
    "tpu.region"() ({
      %run_scoped3A = tpu.sem_alloc : memref<!tpu.dma_semaphore, #tpu.memory_space<semaphore_mem>>
      %dma_start3A = arith.constant 0 : i32
      %dma_start3A_31 = tpu.memref_slice %arg2[%mul3A_2, %dma_start3A] : memref<8192x16xf32, #tpu.memory_space<hbm>> -> memref<256x16xf32, #tpu.memory_space<hbm>>
      %dma_start3A_32 = arith.constant 0 : i32
      %dma_start3A_33 = tpu.memref_slice %arg2[%mul3A_2, %dma_start3A_32] : memref<8192x16xf32, #tpu.memory_space<hbm>> -> memref<256x16xf32, #tpu.memory_space<hbm>>
      tpu.enqueue_dma source(%dma_start3A_33 : memref<256x16xf32, #tpu.memory_space<hbm>>) target(%arg4 : memref<256x16xf32, #tpu.memory_space<vmem>>) target_semaphore(%run_scoped3A : memref<!tpu.dma_semaphore, #tpu.memory_space<semaphore_mem>>)
      %dma_wait3A = arith.constant 0 : i32
      %dma_wait3A_34 = tpu.memref_slice %arg2[%mul3A_2, %dma_wait3A] : memref<8192x16xf32, #tpu.memory_space<hbm>> -> memref<256x16xf32, #tpu.memory_space<hbm>>
      %dma_wait3A_35 = arith.constant 0 : i32
      %dma_wait3A_36 = tpu.memref_slice %arg2[%mul3A_2, %dma_wait3A_35] : memref<8192x16xf32, #tpu.memory_space<hbm>> -> memref<256x16xf32, #tpu.memory_space<hbm>>
      tpu.wait_dma2 semaphore(%run_scoped3A : memref<!tpu.dma_semaphore, #tpu.memory_space<semaphore_mem>>) src(%dma_wait3A_36 : memref<256x16xf32, #tpu.memory_space<hbm>>) dst(%arg4 : memref<256x16xf32, #tpu.memory_space<vmem>>)
      tpu.yield
    }) : () -> ()
    %iota3A = tpu.iota {dimensions = array<i32: 0>} : vector<16xi32>
    %add3A_3 = arith.constant 1 : i32
    %add3A_4 = vector.broadcast %add3A_3 : i32 to vector<16xi32>
    %add3A_5 = arith.addi %iota3A, %add3A_4 : vector<16xi32>
    %and3A = arith.constant 15 : i32
    %and3A_6 = vector.broadcast %and3A : i32 to vector<16xi32>
    %and3A_7 = arith.andi %add3A_5, %and3A_6 : vector<16xi32>
    %add3A_8 = arith.constant 2 : i32
    %add3A_9 = vector.broadcast %add3A_8 : i32 to vector<16xi32>
    %add3A_10 = arith.addi %iota3A, %add3A_9 : vector<16xi32>
    %and3A_11 = arith.constant 15 : i32
    %and3A_12 = vector.broadcast %and3A_11 : i32 to vector<16xi32>
    %and3A_13 = arith.andi %add3A_10, %and3A_12 : vector<16xi32>
    %add3A_14 = arith.constant 4 : i32
    %add3A_15 = vector.broadcast %add3A_14 : i32 to vector<16xi32>
    %add3A_16 = arith.addi %iota3A, %add3A_15 : vector<16xi32>
    %and3A_17 = arith.constant 15 : i32
    %and3A_18 = vector.broadcast %and3A_17 : i32 to vector<16xi32>
    %and3A_19 = arith.andi %add3A_16, %and3A_18 : vector<16xi32>
    %add3A_20 = arith.constant 8 : i32
    %add3A_21 = vector.broadcast %add3A_20 : i32 to vector<16xi32>
    %add3A_22 = arith.addi %iota3A, %add3A_21 : vector<16xi32>
    %and3A_23 = arith.constant 15 : i32
    %and3A_24 = vector.broadcast %and3A_23 : i32 to vector<16xi32>
    %and3A_25 = arith.andi %add3A_22, %and3A_24 : vector<16xi32>
    %scan3A = arith.constant 0 : i32
    %scan3A_26 = arith.constant 0 : i32
    %scan3A_27 = arith.constant 256 : i32
    %scan3A_28 = arith.addi %scan3A_26, %scan3A_27 : i32
    %scan3A_29 = arith.constant 1 : i32
    scf.for %scan3A_31 = %scan3A_26 to %scan3A_28 step %scan3A_29  : i32 {
      %get3A = arith.index_cast %scan3A_31 : i32 to index
      %get3A_32 = arith.constant 0 : index
      %get3A_33 = tpu.vector_load %arg4[%get3A, %get3A_32] {strides = array<i32>} : memref<256x16xf32, #tpu.memory_space<vmem>>, vector<1x16xf32>,
      %get3A_34 = vector.shape_cast %get3A_33 : vector<1x16xf32> to vector<16xf32>
      %lt3A = arith.constant 0 : i32
      %lt3A_35 = vector.broadcast %lt3A : i32 to vector<16xi32>
      %lt3A_36 = arith.cmpi slt, %and3A_7, %lt3A_35 : vector<16xi32>
      %add3A_37 = arith.constant 16 : i32
      %add3A_38 = vector.broadcast %add3A_37 : i32 to vector<16xi32>
      %add3A_39 = arith.addi %and3A_7, %add3A_38 : vector<16xi32>
      %select_n3A = arith.select %lt3A_36, %add3A_39, %and3A_7 : vector<16xi1>, vector<16xi32>
      %broadcast_in_dim3A = vector.shape_cast %select_n3A : vector<16xi32> to vector<16x1xi32>
      %gather3A = vector.shape_cast %broadcast_in_dim3A : vector<16x1xi32> to vector<16xi32>
      %gather3A_40 = tpu.dynamic_gather %get3A_34[%gather3A] in [0] : vector<16xf32>, vector<16xi32> -> vector<16xf32>
      %max3A = arith.maximumf %get3A_34, %gather3A_40 : vector<16xf32>
      %lt3A_41 = arith.constant 0 : i32
      %lt3A_42 = vector.broadcast %lt3A_41 : i32 to vector<16xi32>
      %lt3A_43 = arith.cmpi slt, %and3A_13, %lt3A_42 : vector<16xi32>
      %add3A_44 = arith.constant 16 : i32
      %add3A_45 = vector.broadcast %add3A_44 : i32 to vector<16xi32>
      %add3A_46 = arith.addi %and3A_13, %add3A_45 : vector<16xi32>
      %select_n3A_47 = arith.select %lt3A_43, %add3A_46, %and3A_13 : vector<16xi1>, vector<16xi32>
      %broadcast_in_dim3A_48 = vector.shape_cast %select_n3A_47 : vector<16xi32> to vector<16x1xi32>
      %gather3A_49 = vector.shape_cast %broadcast_in_dim3A_48 : vector<16x1xi32> to vector<16xi32>
      %gather3A_50 = tpu.dynamic_gather %max3A[%gather3A_49] in [0] : vector<16xf32>, vector<16xi32> -> vector<16xf32>
      %max3A_51 = arith.maximumf %max3A, %gather3A_50 : vector<16xf32>
      %lt3A_52 = arith.constant 0 : i32
      %lt3A_53 = vector.broadcast %lt3A_52 : i32 to vector<16xi32>
      %lt3A_54 = arith.cmpi slt, %and3A_19, %lt3A_53 : vector<16xi32>
      %add3A_55 = arith.constant 16 : i32
      %add3A_56 = vector.broadcast %add3A_55 : i32 to vector<16xi32>
      %add3A_57 = arith.addi %and3A_19, %add3A_56 : vector<16xi32>
      %select_n3A_58 = arith.select %lt3A_54, %add3A_57, %and3A_19 : vector<16xi1>, vector<16xi32>
      %broadcast_in_dim3A_59 = vector.shape_cast %select_n3A_58 : vector<16xi32> to vector<16x1xi32>
      %gather3A_60 = vector.shape_cast %broadcast_in_dim3A_59 : vector<16x1xi32> to vector<16xi32>
      %gather3A_61 = tpu.dynamic_gather %max3A_51[%gather3A_60] in [0] : vector<16xf32>, vector<16xi32> -> vector<16xf32>
      %max3A_62 = arith.maximumf %max3A_51, %gather3A_61 : vector<16xf32>
      %lt3A_63 = arith.constant 0 : i32
      %lt3A_64 = vector.broadcast %lt3A_63 : i32 to vector<16xi32>
      %lt3A_65 = arith.cmpi slt, %and3A_25, %lt3A_64 : vector<16xi32>
      %add3A_66 = arith.constant 16 : i32
      %add3A_67 = vector.broadcast %add3A_66 : i32 to vector<16xi32>
      %add3A_68 = arith.addi %and3A_25, %add3A_67 : vector<16xi32>
      %select_n3A_69 = arith.select %lt3A_65, %add3A_68, %and3A_25 : vector<16xi1>, vector<16xi32>
      %broadcast_in_dim3A_70 = vector.shape_cast %select_n3A_69 : vector<16xi32> to vector<16x1xi32>
      %gather3A_71 = vector.shape_cast %broadcast_in_dim3A_70 : vector<16x1xi32> to vector<16xi32>
      %gather3A_72 = tpu.dynamic_gather %max3A_62[%gather3A_71] in [0] : vector<16xf32>, vector<16xi32> -> vector<16xf32>
      %max3A_73 = arith.maximumf %max3A_62, %gather3A_72 : vector<16xf32>
      %eq3A = arith.cmpf oeq, %get3A_34, %max3A_73 : vector<16xf32>
      %jit3A = arith.constant 0xFF800000 : f32
      %broadcast_in_dim3A_74 = vector.broadcast %jit3A : f32 to vector<16xf32>
      %select_n3A_75 = arith.select %eq3A, %broadcast_in_dim3A_74, %get3A_34 : vector<16xi1>, vector<16xf32>
      %lt3A_76 = arith.constant 0 : i32
      %lt3A_77 = vector.broadcast %lt3A_76 : i32 to vector<16xi32>
      %lt3A_78 = arith.cmpi slt, %and3A_7, %lt3A_77 : vector<16xi32>
      %add3A_79 = arith.constant 16 : i32
      %add3A_80 = vector.broadcast %add3A_79 : i32 to vector<16xi32>
      %add3A_81 = arith.addi %and3A_7, %add3A_80 : vector<16xi32>
      %select_n3A_82 = arith.select %lt3A_78, %add3A_81, %and3A_7 : vector<16xi1>, vector<16xi32>
      %broadcast_in_dim3A_83 = vector.shape_cast %select_n3A_82 : vector<16xi32> to vector<16x1xi32>
      %gather3A_84 = vector.shape_cast %broadcast_in_dim3A_83 : vector<16x1xi32> to vector<16xi32>
      %gather3A_85 = tpu.dynamic_gather %select_n3A_75[%gather3A_84] in [0] : vector<16xf32>, vector<16xi32> -> vector<16xf32>
      %max3A_86 = arith.maximumf %select_n3A_75, %gather3A_85 : vector<16xf32>
      %lt3A_87 = arith.constant 0 : i32
      %lt3A_88 = vector.broadcast %lt3A_87 : i32 to vector<16xi32>
      %lt3A_89 = arith.cmpi slt, %and3A_13, %lt3A_88 : vector<16xi32>
      %add3A_90 = arith.constant 16 : i32
      %add3A_91 = vector.broadcast %add3A_90 : i32 to vector<16xi32>
      %add3A_92 = arith.addi %and3A_13, %add3A_91 : vector<16xi32>
      %select_n3A_93 = arith.select %lt3A_89, %add3A_92, %and3A_13 : vector<16xi1>, vector<16xi32>
      %broadcast_in_dim3A_94 = vector.shape_cast %select_n3A_93 : vector<16xi32> to vector<16x1xi32>
      %gather3A_95 = vector.shape_cast %broadcast_in_dim3A_94 : vector<16x1xi32> to vector<16xi32>
      %gather3A_96 = tpu.dynamic_gather %max3A_86[%gather3A_95] in [0] : vector<16xf32>, vector<16xi32> -> vector<16xf32>
      %max3A_97 = arith.maximumf %max3A_86, %gather3A_96 : vector<16xf32>
      %lt3A_98 = arith.constant 0 : i32
      %lt3A_99 = vector.broadcast %lt3A_98 : i32 to vector<16xi32>
      %lt3A_100 = arith.cmpi slt, %and3A_19, %lt3A_99 : vector<16xi32>
      %add3A_101 = arith.constant 16 : i32
      %add3A_102 = vector.broadcast %add3A_101 : i32 to vector<16xi32>
      %add3A_103 = arith.addi %and3A_19, %add3A_102 : vector<16xi32>
      %select_n3A_104 = arith.select %lt3A_100, %add3A_103, %and3A_19 : vector<16xi1>, vector<16xi32>
      %broadcast_in_dim3A_105 = vector.shape_cast %select_n3A_104 : vector<16xi32> to vector<16x1xi32>
      %gather3A_106 = vector.shape_cast %broadcast_in_dim3A_105 : vector<16x1xi32> to vector<16xi32>
      %gather3A_107 = tpu.dynamic_gather %max3A_97[%gather3A_106] in [0] : vector<16xf32>, vector<16xi32> -> vector<16xf32>
      %max3A_108 = arith.maximumf %max3A_97, %gather3A_107 : vector<16xf32>
      %lt3A_109 = arith.constant 0 : i32
      %lt3A_110 = vector.broadcast %lt3A_109 : i32 to vector<16xi32>
      %lt3A_111 = arith.cmpi slt, %and3A_25, %lt3A_110 : vector<16xi32>
      %add3A_112 = arith.constant 16 : i32
      %add3A_113 = vector.broadcast %add3A_112 : i32 to vector<16xi32>
      %add3A_114 = arith.addi %and3A_25, %add3A_113 : vector<16xi32>
      %select_n3A_115 = arith.select %lt3A_111, %add3A_114, %and3A_25 : vector<16xi1>, vector<16xi32>
      %broadcast_in_dim3A_116 = vector.shape_cast %select_n3A_115 : vector<16xi32> to vector<16x1xi32>
      %gather3A_117 = vector.shape_cast %broadcast_in_dim3A_116 : vector<16x1xi32> to vector<16xi32>
      %gather3A_118 = tpu.dynamic_gather %max3A_108[%gather3A_117] in [0] : vector<16xf32>, vector<16xi32> -> vector<16xf32>
      %max3A_119 = arith.maximumf %max3A_108, %gather3A_118 : vector<16xf32>
      %ge3A = arith.cmpf oge, %get3A_34, %max3A_119 : vector<16xf32>
      %sub3A = arith.subf %get3A_34, %max3A_73 : vector<16xf32>
      %exp3A = math.exp %sub3A : vector<16xf32>
      %lt3A_120 = arith.constant 0 : i32
      %lt3A_121 = vector.broadcast %lt3A_120 : i32 to vector<16xi32>
      %lt3A_122 = arith.cmpi slt, %and3A_7, %lt3A_121 : vector<16xi32>
      %add3A_123 = arith.constant 16 : i32
      %add3A_124 = vector.broadcast %add3A_123 : i32 to vector<16xi32>
      %add3A_125 = arith.addi %and3A_7, %add3A_124 : vector<16xi32>
      %select_n3A_126 = arith.select %lt3A_122, %add3A_125, %and3A_7 : vector<16xi1>, vector<16xi32>
      %broadcast_in_dim3A_127 = vector.shape_cast %select_n3A_126 : vector<16xi32> to vector<16x1xi32>
      %gather3A_128 = vector.shape_cast %broadcast_in_dim3A_127 : vector<16x1xi32> to vector<16xi32>
      %gather3A_129 = tpu.dynamic_gather %exp3A[%gather3A_128] in [0] : vector<16xf32>, vector<16xi32> -> vector<16xf32>
      %add3A_130 = arith.addf %exp3A, %gather3A_129 : vector<16xf32>
      %lt3A_131 = arith.constant 0 : i32
      %lt3A_132 = vector.broadcast %lt3A_131 : i32 to vector<16xi32>
      %lt3A_133 = arith.cmpi slt, %and3A_13, %lt3A_132 : vector<16xi32>
      %add3A_134 = arith.constant 16 : i32
      %add3A_135 = vector.broadcast %add3A_134 : i32 to vector<16xi32>
      %add3A_136 = arith.addi %and3A_13, %add3A_135 : vector<16xi32>
      %select_n3A_137 = arith.select %lt3A_133, %add3A_136, %and3A_13 : vector<16xi1>, vector<16xi32>
      %broadcast_in_dim3A_138 = vector.shape_cast %select_n3A_137 : vector<16xi32> to vector<16x1xi32>
      %gather3A_139 = vector.shape_cast %broadcast_in_dim3A_138 : vector<16x1xi32> to vector<16xi32>
      %gather3A_140 = tpu.dynamic_gather %add3A_130[%gather3A_139] in [0] : vector<16xf32>, vector<16xi32> -> vector<16xf32>
      %add3A_141 = arith.addf %add3A_130, %gather3A_140 : vector<16xf32>
      %lt3A_142 = arith.constant 0 : i32
      %lt3A_143 = vector.broadcast %lt3A_142 : i32 to vector<16xi32>
      %lt3A_144 = arith.cmpi slt, %and3A_19, %lt3A_143 : vector<16xi32>
      %add3A_145 = arith.constant 16 : i32
      %add3A_146 = vector.broadcast %add3A_145 : i32 to vector<16xi32>
      %add3A_147 = arith.addi %and3A_19, %add3A_146 : vector<16xi32>
      %select_n3A_148 = arith.select %lt3A_144, %add3A_147, %and3A_19 : vector<16xi1>, vector<16xi32>
      %broadcast_in_dim3A_149 = vector.shape_cast %select_n3A_148 : vector<16xi32> to vector<16x1xi32>
      %gather3A_150 = vector.shape_cast %broadcast_in_dim3A_149 : vector<16x1xi32> to vector<16xi32>
      %gather3A_151 = tpu.dynamic_gather %add3A_141[%gather3A_150] in [0] : vector<16xf32>, vector<16xi32> -> vector<16xf32>
      %add3A_152 = arith.addf %add3A_141, %gather3A_151 : vector<16xf32>
      %lt3A_153 = arith.constant 0 : i32
      %lt3A_154 = vector.broadcast %lt3A_153 : i32 to vector<16xi32>
      %lt3A_155 = arith.cmpi slt, %and3A_25, %lt3A_154 : vector<16xi32>
      %add3A_156 = arith.constant 16 : i32
      %add3A_157 = vector.broadcast %add3A_156 : i32 to vector<16xi32>
      %add3A_158 = arith.addi %and3A_25, %add3A_157 : vector<16xi32>
      %select_n3A_159 = arith.select %lt3A_155, %add3A_158, %and3A_25 : vector<16xi1>, vector<16xi32>
      %broadcast_in_dim3A_160 = vector.shape_cast %select_n3A_159 : vector<16xi32> to vector<16x1xi32>
      %gather3A_161 = vector.shape_cast %broadcast_in_dim3A_160 : vector<16x1xi32> to vector<16xi32>
      %gather3A_162 = tpu.dynamic_gather %add3A_152[%gather3A_161] in [0] : vector<16xf32>, vector<16xi32> -> vector<16xf32>
      %add3A_163 = arith.addf %add3A_152, %gather3A_162 : vector<16xf32>
      %div3A = arith.divf %exp3A, %add3A_163 : vector<16xf32>
      %jit3A_164 = arith.constant 0.000000e+00 : f32
      %broadcast_in_dim3A_165 = vector.broadcast %jit3A_164 : f32 to vector<16xf32>
      %select_n3A_166 = arith.select %ge3A, %div3A, %broadcast_in_dim3A_165 : vector<16xi1>, vector<16xf32>
      %swap3A = arith.index_cast %scan3A_31 : i32 to index
      %swap3A_167 = arith.constant 0 : index
      %swap3A_168 = tpu.vector_load %arg5[%swap3A, %swap3A_167] {strides = array<i32>} : memref<256x16xf32, #tpu.memory_space<vmem>>, vector<1x16xf32>,
      %swap3A_169 = vector.shape_cast %swap3A_168 : vector<1x16xf32> to vector<16xf32>
      %swap3A_170 = vector.shape_cast %select_n3A_166 : vector<16xf32> to vector<1x16xf32>
      tpu.vector_store %arg5[%swap3A, %swap3A_167], %swap3A_170 {strides = array<i32>} : memref<256x16xf32, #tpu.memory_space<vmem>>, vector<1x16xf32>,
    }
    %scan3A_30 = arith.constant 256 : i32
    "tpu.region"() ({
      %run_scoped3A = tpu.sem_alloc : memref<!tpu.dma_semaphore, #tpu.memory_space<semaphore_mem>>
      %dma_start3A = arith.constant 0 : i32
      %dma_start3A_31 = tpu.memref_slice %arg3[%mul3A_2, %dma_start3A] : memref<8192x16xf32, #tpu.memory_space<hbm>> -> memref<256x16xf32, #tpu.memory_space<hbm>>
      %dma_start3A_32 = arith.constant 0 : i32
      %dma_start3A_33 = tpu.memref_slice %arg3[%mul3A_2, %dma_start3A_32] : memref<8192x16xf32, #tpu.memory_space<hbm>> -> memref<256x16xf32, #tpu.memory_space<hbm>>
      tpu.enqueue_dma source(%arg5 : memref<256x16xf32, #tpu.memory_space<vmem>>) target(%dma_start3A_33 : memref<256x16xf32, #tpu.memory_space<hbm>>) target_semaphore(%run_scoped3A : memref<!tpu.dma_semaphore, #tpu.memory_space<semaphore_mem>>)
      %dma_wait3A = arith.constant 0 : i32
      %dma_wait3A_34 = tpu.memref_slice %arg3[%mul3A_2, %dma_wait3A] : memref<8192x16xf32, #tpu.memory_space<hbm>> -> memref<256x16xf32, #tpu.memory_space<hbm>>
      %dma_wait3A_35 = arith.constant 0 : i32
      %dma_wait3A_36 = tpu.memref_slice %arg3[%mul3A_2, %dma_wait3A_35] : memref<8192x16xf32, #tpu.memory_space<hbm>> -> memref<256x16xf32, #tpu.memory_space<hbm>>
      tpu.wait_dma2 semaphore(%run_scoped3A : memref<!tpu.dma_semaphore, #tpu.memory_space<semaphore_mem>>) src(%arg5 : memref<256x16xf32, #tpu.memory_space<vmem>>) dst(%dma_wait3A_36 : memref<256x16xf32, #tpu.memory_space<hbm>>)
      tpu.yield
    }) : () -> ()
    return
  }
}

module attributes {stable_mosaic.version = 14 : i64} {
  func.func @_logits_kernel(%arg0: i32, %arg1: memref<1024x1024xf32, #tpu.memory_space<vmem>>, %arg2: memref<1024x16xf32, #tpu.memory_space<vmem>>, %arg3: memref<1024x16xf32, #tpu.memory_space<vmem>>) attributes {dimension_semantics = [#tpu.dimension_semantics<arbitrary>], iteration_bounds = array<i64: 8>, scalar_prefetch = 0 : i64, scratch_operands = 0 : i64, tpu.core_type = #tpu.core_type<tc>, window_params = [{transform_indices = @transform_0, window_bounds = array<i64: 1024, 1024>}, {pipeline_mode = #tpu.pipeline_mode<synchronous>, transform_indices = @transform_1, window_bounds = array<i64: 1024, 16>}, {transform_indices = @transform_2, window_bounds = array<i64: 1024, 16>}]} {
    %get3A = arith.constant 0 : index
    %get3A_0 = arith.constant 0 : index
    %get3A_1 = vector.load %arg1[%get3A, %get3A_0] : memref<1024x1024xf32, #tpu.memory_space<vmem>>, vector<1024x1024xf32>
    %get3A_2 = arith.constant 0 : index
    %get3A_3 = arith.constant 0 : index
    %get3A_4 = vector.load %arg2[%get3A_2, %get3A_3] : memref<1024x16xf32, #tpu.memory_space<vmem>>, vector<1024x16xf32>
    %dot_general3A = arith.constant dense<0.000000e+00> : vector<1024x16xf32>
    %dot_general3A_5 = tpu.matmul %get3A_1, %get3A_4, %dot_general3A {dimension_numbers = #tpu.dot_dimension_numbers<[1], [0], [0], [1], [0, 0, 1, 1], [], []>, transpose_lhs_hint = false} : vector<1024x1024xf32>, vector<1024x16xf32>, vector<1024x16xf32> -> vector<1024x16xf32>
    %swap3A = arith.constant 0 : index
    %swap3A_6 = arith.constant 0 : index
    %swap3A_7 = vector.load %arg3[%swap3A, %swap3A_6] : memref<1024x16xf32, #tpu.memory_space<vmem>>, vector<1024x16xf32>
    tpu.vector_store %arg3[%swap3A, %swap3A_6], %dot_general3A_5 {strides = array<i32>} : memref<1024x16xf32, #tpu.memory_space<vmem>>, vector<1024x16xf32>,
    return
  }
  func.func @transform_0(%arg0: i32) -> (i32, i32) {
    %c0_i32 = arith.constant 0 : i32
    %c0_i32_0 = arith.constant 0 : i32
    return %arg0, %c0_i32 : i32, i32
  }
  func.func @transform_1(%arg0: i32) -> (i32, i32) {
    %c0_i32 = arith.constant 0 : i32
    %c0_i32_0 = arith.constant 0 : i32
    %c0_i32_1 = arith.constant 0 : i32
    return %c0_i32, %c0_i32_0 : i32, i32
  }
  func.func @transform_2(%arg0: i32) -> (i32, i32) {
    %c0_i32 = arith.constant 0 : i32
    %c0_i32_0 = arith.constant 0 : i32
    return %arg0, %c0_i32 : i32, i32
  }
}

module attributes {stable_mosaic.version = 14 : i64} {
  func.func @_main_kernel(%arg0: i32, %arg1: memref<1024x1024xf32, #tpu.memory_space<vmem>>, %arg2: memref<1024x16xf32, #tpu.memory_space<vmem>>, %arg3: memref<16x1024xf32, #tpu.memory_space<vmem>>, %arg4: memref<1024x1024xbf16, #tpu.memory_space<vmem>>, %arg5: memref<1024x1024xbf16, #tpu.memory_space<vmem>>, %arg6: memref<1024x64xf32, #tpu.memory_space<vmem>>, %arg7: memref<1024x64xf32, #tpu.memory_space<vmem>>) attributes {dimension_semantics = [#tpu.dimension_semantics<arbitrary>], iteration_bounds = array<i64: 8>, scalar_prefetch = 0 : i64, scratch_operands = 0 : i64, tpu.core_type = #tpu.core_type<tc>, window_params = [{transform_indices = @transform_0, window_bounds = array<i64: 1024, 1024>}, {transform_indices = @transform_1, window_bounds = array<i64: 1024, 16>}, {pipeline_mode = #tpu.pipeline_mode<synchronous>, transform_indices = @transform_2, window_bounds = array<i64: 16, 1024>}, {pipeline_mode = #tpu.pipeline_mode<synchronous>, transform_indices = @transform_3, window_bounds = array<i64: 1024, 1024>}, {pipeline_mode = #tpu.pipeline_mode<synchronous>, transform_indices = @transform_4, window_bounds = array<i64: 1024, 1024>}, {transform_indices = @transform_5, window_bounds = array<i64: 1024, 64>}, {transform_indices = @transform_6, window_bounds = array<i64: 1024, 64>}]} {
    %get3A = arith.constant 0 : index
    %get3A_0 = arith.constant 0 : index
    %get3A_1 = vector.load %arg1[%get3A, %get3A_0] : memref<1024x1024xf32, #tpu.memory_space<vmem>>, vector<1024x1024xf32>
    %convert_element_type3A = arith.truncf %get3A_1 : vector<1024x1024xf32> to vector<1024x1024xbf16>
    %get3A_2 = arith.constant 0 : index
    %get3A_3 = arith.constant 0 : index
    %get3A_4 = vector.load %arg2[%get3A_2, %get3A_3] : memref<1024x16xf32, #tpu.memory_space<vmem>>, vector<1024x16xf32>
    %get3A_5 = arith.constant 0 : index
    %get3A_6 = arith.constant 0 : index
    %get3A_7 = vector.load %arg3[%get3A_5, %get3A_6] : memref<16x1024xf32, #tpu.memory_space<vmem>>, vector<16x1024xf32>
    %dot_general3A = arith.constant dense<0.000000e+00> : vector<1024x1024xf32>
    %dot_general3A_8 = tpu.matmul %get3A_4, %get3A_7, %dot_general3A {dimension_numbers = #tpu.dot_dimension_numbers<[1], [0], [0], [1], [0, 0, 1, 1], [], []>, transpose_lhs_hint = false} : vector<1024x16xf32>, vector<16x1024xf32>, vector<1024x1024xf32> -> vector<1024x1024xf32>
    %get3A_9 = arith.constant 0 : index
    %get3A_10 = arith.constant 0 : index
    %get3A_11 = vector.load %arg4[%get3A_9, %get3A_10] : memref<1024x1024xbf16, #tpu.memory_space<vmem>>, vector<1024x1024xbf16>
    %dot_general3A_12 = arith.constant dense<0.000000e+00> : vector<1024x1024xf32>
    %dot_general3A_13 = tpu.matmul %convert_element_type3A, %get3A_11, %dot_general3A_12 {dimension_numbers = #tpu.dot_dimension_numbers<[1], [0], [0], [1], [0, 0, 1, 1], [], []>, transpose_lhs_hint = false} : vector<1024x1024xbf16>, vector<1024x1024xbf16>, vector<1024x1024xf32> -> vector<1024x1024xf32>
    %mul3A = arith.mulf %dot_general3A_13, %dot_general3A_8 : vector<1024x1024xf32>
    %slice3A = vector.extract_strided_slice %mul3A {offsets = [0, 0], sizes = [1024, 512], strides = [1, 1]} : vector<1024x1024xf32> to vector<1024x512xf32>
    %slice3A_14 = vector.extract_strided_slice %mul3A {offsets = [0, 512], sizes = [1024, 512], strides = [1, 1]} : vector<1024x1024xf32> to vector<1024x512xf32>
    %add3A = arith.addf %slice3A, %slice3A_14 : vector<1024x512xf32>
    %slice3A_15 = vector.extract_strided_slice %add3A {offsets = [0, 0], sizes = [1024, 256], strides = [1, 1]} : vector<1024x512xf32> to vector<1024x256xf32>
    %slice3A_16 = vector.extract_strided_slice %add3A {offsets = [0, 256], sizes = [1024, 256], strides = [1, 1]} : vector<1024x512xf32> to vector<1024x256xf32>
    %add3A_17 = arith.addf %slice3A_15, %slice3A_16 : vector<1024x256xf32>
    %slice3A_18 = vector.extract_strided_slice %add3A_17 {offsets = [0, 0], sizes = [1024, 128], strides = [1, 1]} : vector<1024x256xf32> to vector<1024x128xf32>
    %slice3A_19 = vector.extract_strided_slice %add3A_17 {offsets = [0, 128], sizes = [1024, 128], strides = [1, 1]} : vector<1024x256xf32> to vector<1024x128xf32>
    %add3A_20 = arith.addf %slice3A_18, %slice3A_19 : vector<1024x128xf32>
    %slice3A_21 = vector.extract_strided_slice %add3A_20 {offsets = [0, 0], sizes = [1024, 64], strides = [1, 1]} : vector<1024x128xf32> to vector<1024x64xf32>
    %slice3A_22 = vector.extract_strided_slice %add3A_20 {offsets = [0, 64], sizes = [1024, 64], strides = [1, 1]} : vector<1024x128xf32> to vector<1024x64xf32>
    %add3A_23 = arith.addf %slice3A_21, %slice3A_22 : vector<1024x64xf32>
    %get3A_24 = arith.constant 0 : index
    %get3A_25 = arith.constant 0 : index
    %get3A_26 = vector.load %arg5[%get3A_24, %get3A_25] : memref<1024x1024xbf16, #tpu.memory_space<vmem>>, vector<1024x1024xbf16>
    %dot_general3A_27 = arith.constant dense<0.000000e+00> : vector<1024x1024xf32>
    %dot_general3A_28 = tpu.matmul %convert_element_type3A, %get3A_26, %dot_general3A_27 {dimension_numbers = #tpu.dot_dimension_numbers<[1], [0], [0], [1], [0, 0, 1, 1], [], []>, transpose_lhs_hint = false} : vector<1024x1024xbf16>, vector<1024x1024xbf16>, vector<1024x1024xf32> -> vector<1024x1024xf32>
    %mul3A_29 = arith.mulf %dot_general3A_28, %dot_general3A_8 : vector<1024x1024xf32>
    %slice3A_30 = vector.extract_strided_slice %mul3A_29 {offsets = [0, 0], sizes = [1024, 512], strides = [1, 1]} : vector<1024x1024xf32> to vector<1024x512xf32>
    %slice3A_31 = vector.extract_strided_slice %mul3A_29 {offsets = [0, 512], sizes = [1024, 512], strides = [1, 1]} : vector<1024x1024xf32> to vector<1024x512xf32>
    %add3A_32 = arith.addf %slice3A_30, %slice3A_31 : vector<1024x512xf32>
    %slice3A_33 = vector.extract_strided_slice %add3A_32 {offsets = [0, 0], sizes = [1024, 256], strides = [1, 1]} : vector<1024x512xf32> to vector<1024x256xf32>
    %slice3A_34 = vector.extract_strided_slice %add3A_32 {offsets = [0, 256], sizes = [1024, 256], strides = [1, 1]} : vector<1024x512xf32> to vector<1024x256xf32>
    %add3A_35 = arith.addf %slice3A_33, %slice3A_34 : vector<1024x256xf32>
    %slice3A_36 = vector.extract_strided_slice %add3A_35 {offsets = [0, 0], sizes = [1024, 128], strides = [1, 1]} : vector<1024x256xf32> to vector<1024x128xf32>
    %slice3A_37 = vector.extract_strided_slice %add3A_35 {offsets = [0, 128], sizes = [1024, 128], strides = [1, 1]} : vector<1024x256xf32> to vector<1024x128xf32>
    %add3A_38 = arith.addf %slice3A_36, %slice3A_37 : vector<1024x128xf32>
    %slice3A_39 = vector.extract_strided_slice %add3A_38 {offsets = [0, 0], sizes = [1024, 64], strides = [1, 1]} : vector<1024x128xf32> to vector<1024x64xf32>
    %slice3A_40 = vector.extract_strided_slice %add3A_38 {offsets = [0, 64], sizes = [1024, 64], strides = [1, 1]} : vector<1024x128xf32> to vector<1024x64xf32>
    %add3A_41 = arith.addf %slice3A_39, %slice3A_40 : vector<1024x64xf32>
    %tanh3A = math.tanh %add3A_41 : vector<1024x64xf32>
    %swap3A = arith.constant 0 : index
    %swap3A_42 = arith.constant 0 : index
    %swap3A_43 = vector.load %arg6[%swap3A, %swap3A_42] : memref<1024x64xf32, #tpu.memory_space<vmem>>, vector<1024x64xf32>
    tpu.vector_store %arg6[%swap3A, %swap3A_42], %add3A_23 {strides = array<i32>} : memref<1024x64xf32, #tpu.memory_space<vmem>>, vector<1024x64xf32>,
    %add3A_44 = arith.constant 1.000000e+00 : f32
    %add3A_45 = vector.broadcast %add3A_44 : f32 to vector<1024x64xf32>
    %add3A_46 = arith.addf %tanh3A, %add3A_45 : vector<1024x64xf32>
    %mul3A_47 = arith.constant 3.500000e+00 : f32
    %mul3A_48 = vector.broadcast %mul3A_47 : f32 to vector<1024x64xf32>
    %mul3A_49 = arith.mulf %mul3A_48, %add3A_46 : vector<1024x64xf32>
    %add3A_50 = arith.constant -5.000000e+00 : f32
    %add3A_51 = vector.broadcast %add3A_50 : f32 to vector<1024x64xf32>
    %add3A_52 = arith.addf %add3A_51, %mul3A_49 : vector<1024x64xf32>
    %swap3A_53 = arith.constant 0 : index
    %swap3A_54 = arith.constant 0 : index
    %swap3A_55 = vector.load %arg7[%swap3A_53, %swap3A_54] : memref<1024x64xf32, #tpu.memory_space<vmem>>, vector<1024x64xf32>
    tpu.vector_store %arg7[%swap3A_53, %swap3A_54], %add3A_52 {strides = array<i32>} : memref<1024x64xf32, #tpu.memory_space<vmem>>, vector<1024x64xf32>,
    return
  }
  func.func @transform_0(%arg0: i32) -> (i32, i32) {
    %c0_i32 = arith.constant 0 : i32
    %c0_i32_0 = arith.constant 0 : i32
    return %arg0, %c0_i32 : i32, i32
  }
  func.func @transform_1(%arg0: i32) -> (i32, i32) {
    %c0_i32 = arith.constant 0 : i32
    %c0_i32_0 = arith.constant 0 : i32
    return %arg0, %c0_i32 : i32, i32
  }
  func.func @transform_2(%arg0: i32) -> (i32, i32) {
    %c0_i32 = arith.constant 0 : i32
    %c0_i32_0 = arith.constant 0 : i32
    %c0_i32_1 = arith.constant 0 : i32
    return %c0_i32, %c0_i32_0 : i32, i32
  }
  func.func @transform_3(%arg0: i32) -> (i32, i32) {
    %c0_i32 = arith.constant 0 : i32
    %c0_i32_0 = arith.constant 0 : i32
    %c0_i32_1 = arith.constant 0 : i32
    return %c0_i32, %c0_i32_0 : i32, i32
  }
  func.func @transform_4(%arg0: i32) -> (i32, i32) {
    %c0_i32 = arith.constant 0 : i32
    %c0_i32_0 = arith.constant 0 : i32
    %c0_i32_1 = arith.constant 0 : i32
    return %c0_i32, %c0_i32_0 : i32, i32
  }
  func.func @transform_5(%arg0: i32) -> (i32, i32) {
    %c0_i32 = arith.constant 0 : i32
    %c0_i32_0 = arith.constant 0 : i32
    return %arg0, %c0_i32 : i32, i32
  }
  func.func @transform_6(%arg0: i32) -> (i32, i32) {
    %c0_i32 = arith.constant 0 : i32
    %c0_i32_0 = arith.constant 0 : i32
    return %arg0, %c0_i32 : i32, i32
  }
}

</mosaic_0001>

<sc_bundles>
// kernel: kernel.5.cloned.1.call-start
scs
__scs_entry_jumppad:
0x0: {  	(pc) =	sbr.rel $0x88, $3  }
0x1: {  	(tag) =	ssettag $0x0;
	lr =	simm.s32 $0x1  }
0x2: {  	[smem:$0x3F9D] =	sst lr;
	_ =	strace $0xD0000000  }
0x3: {  	_ = 	snop  }
0x4: {  	_ = 	snop  }
0x5: {  	_ = 	snop  }
0x6: {  	_ = 	snop  }
0x7: {  	_ = 	snop  }
__scs_overlays_trampoline_lowered:
0x8: {  	[smem:$0x3FAC] =	sst s0  }
0x9: {  	[smem:$0x3FAD] =	sst s1  }
0xa: {  	[smem:$0x3FAE] =	sst s2  }
0xb: {  	[smem:$0x3FAF] =	sst s3  }
0xc: {  	[smem:$0x3FB0] =	sst s4  }
0xd: {  	[smem:$0x3FB1] =	sst s5  }
0xe: {  	[smem:$0x3FB2] =	sst s6  }
0xf: {  	[smem:$0x3FB3] =	sst s7  }
0x10: {  	[smem:$0x3FB4] =	sst s8  }
0x11: {  	[smem:$0x3FB5] =	sst s9;
	s0 =	simm.s32 @!p0 $0x0  }
0x12: {  	s1 =	sld [smem:$0x3F9B];
	s0 =	simm.s32 @p0 $0x1  }
0x13: {  	[smem:$0x3FB6] =	sst s0;
	s0 =	simm.s32 @!p1 $0x0  }
0x14: {  	s2 =	sld [smem:$0x3F9A];
	s0 =	simm.s32 @p1 $0x1  }
0x15: {  	[smem:$0x3FB7] =	sst s0;
	s0 =	simm.s32 @!p2 $0x0  }
0x16: {  	s3 =	sld [smem:$0x3FDB];
	s0 =	simm.s32 @p2 $0x1  }
0x17: {  	s4 =	simm.s32 $0x1BF5;
	[smem:$0x3FB9] =	sst s0  }
0x18: {  	s0 =	sld [smem:$0x3F9C];
	_ =	swait.ge [sflag:s4], $0x0  }
0x19: {  	s7 =	sld [smem:$0x3F9D]  }
0x1a: {  	s8 =	sadd.s32 $0xFFFFE003, lr  }
0x1b: {  	s9 =	sadd.s32 $0xFFFFFEF7, lr;
	s5 =	simm.s32 $0xFFFFFFFF;
	p2 =	slt.u32 s8, $0xFFFFF086  }
0x1c: {  	p1 =	slt.u32 s9, $0xF7A;
	s5 =	simm.s32 @!p2 $0x0  }
0x1d: {  	s5 =	simm.s32 @p1 $0x1;
	p0 =	seq.s32 s7, s2  }
0x1e: {  	s7 =	smul.u32 @!p0 $0xF7A, s2;
	p2 =	seq.s32 @!p0 s5, $0x0  }
0x1f: {  	s9 =	smul.u32 $0xF7A, s1;
	s8 =	simm.s32 @!p0 $0x1BF5;
	p2 =	por !p2, p0  }
0x20: {  	[sflag:s8] =	ssyncset.s32 @!p0 $0xFFFFF086;
	s6 =	sadd.s32 @!p0 s3, s7;
	s7 =	simm.s32 @!p0 $0x108  }
0x21: {  	s3 =	sadd.s32 s3, s9;
	s6 =	sadd.s32 @!p0 $0x88, s6;
	s7 =	simm.s32 @p2 $0x1082  }
0x22: {  	[simem:s7], [sflag:s8] =	dma.local @!p0 [hbm:s6], $0xF7A  }
0x23: {  	s9 =	sor.u32 $0xD0000000, s2;
	s6 =	simm.s32 $0x108;
	_ =	swait.ge @!p0 [sflag:s8], $0x0  }
0x24: {  	s3 =	sadd.s32 $0x88, s3;
	s6 =	simm.s32 @!p1 $0x1082;
	[sflag:s4] =	ssyncset.s32 $0xFFFFF086  }
0x25: {  	[simem:s6], [sflag:s4] =	dma.local [hbm:s3], $0xF7A  }
0x26: {  	[smem:$0x3F9D] =	sst s1;
	(tag) =	ssettag s2;
	_ =	strace s9  }
0x27: {  	s1 =	sld [smem:$0x3FAD]  }
0x28: {  	s2 =	sld [smem:$0x3FAE]  }
0x29: {  	s4 =	sld [smem:$0x3FB0]  }
0x2a: {  	p0 =	seq.s32 s5, $0x0;
	s5 =	sld [smem:$0x3FB1]  }
0x2b: {  	s6 =	sld [smem:$0x3FB2]  }
0x2c: {  	s7 =	sld [smem:$0x3FB3]  }
0x2d: {  	s3 =	simm.s32 $0x108;
	s8 =	sld [smem:$0x3FB4]  }
0x2e: {  	s3 =	simm.s32 @!p0 $0x1082;
	s9 =	sld [smem:$0x3FB5]  }
0x2f: {  	lr =	sadd.s32 s0, s3;
	s0 =	sld [smem:$0x3FAC]  }
0x30: {  	s3 =	sld [smem:$0x3FAF]  }
0x31: {  	[smem:$0x3FB8] =	sst s10  }
0x32: {  	s10 =	sld [smem:$0x3FB6];
	_ =	sdelay $0x3  }
0x33: {  	p0 =	seq.s32 s10, $0x1;
	s10 =	sld [smem:$0x3FB8];
	_ =	sdelay $0x3  }
0x34: {  	[smem:$0x3FB8] =	sst s10  }
0x35: {  	s10 =	sld [smem:$0x3FB7];
	_ =	sdelay $0x3  }
0x36: {  	p1 =	seq.s32 s10, $0x1;
	s10 =	sld [smem:$0x3FB8];
	_ =	sdelay $0x3  }
0x37: {  	[smem:$0x3FB8] =	sst s10  }
0x38: {  	s10 =	sld [smem:$0x3FB9]  }
0x39: {  	_ = 	snop;
	(pc) =	sbr.ind lr, $3  }
0x3a: {  	_ = 	snop  }
0x3b: {  	_ = 	snop  }
0x3c: {  	p2 =	seq.s32 s10, $0x1;
	s10 =	sld [smem:$0x3FB8]  }
0x3d: {  	_ =	shalt  }
0x3e: {  	_ =	shalt  }
0x3f: {  	_ =	shalt  }
0x40: {  	_ =	shalt  }
0x41: {  	_ =	shalt  }
0x42: {  	_ =	shalt  }
0x43: {  	_ =	shalt  }
0x44: {  	_ =	shalt  }
0x45: {  	_ =	shalt  }
0x46: {  	_ =	shalt  }
0x47: {  	_ =	shalt  }
0x48: {  	_ =	shalt  }
0x49: {  	_ =	shalt  }
0x4a: {  	_ =	shalt  }
0x4b: {  	_ =	shalt  }
0x4c: {  	_ =	shalt  }
0x4d: {  	_ =	shalt  }
0x4e: {  	_ =	shalt  }
0x4f: {  	_ =	shalt  }
0x50: {  	_ =	shalt  }
0x51: {  	_ =	shalt  }
0x52: {  	_ =	shalt  }
0x53: {  	_ =	shalt  }
0x54: {  	_ =	shalt  }
0x55: {  	_ =	shalt  }
0x56: {  	_ =	shalt  }
0x57: {  	_ =	shalt  }
0x58: {  	_ =	shalt  }
0x59: {  	_ =	shalt  }
0x5a: {  	_ =	shalt  }
0x5b: {  	_ =	shalt  }
0x5c: {  	_ =	shalt  }
0x5d: {  	_ =	shalt  }
0x5e: {  	_ =	shalt  }
0x5f: {  	_ =	shalt  }
0x60: {  	_ =	shalt  }
0x61: {  	_ =	shalt  }
0x62: {  	_ =	shalt  }
0x63: {  	_ =	shalt  }
0x64: {  	_ =	shalt  }
0x65: {  	_ =	shalt  }
0x66: {  	_ =	shalt  }
0x67: {  	_ =	shalt  }
0x68: {  	_ =	shalt  }
0x69: {  	_ =	shalt  }
0x6a: {  	_ =	shalt  }
0x6b: {  	_ =	shalt  }
0x6c: {  	_ =	shalt  }
0x6d: {  	_ =	shalt  }
0x6e: {  	_ =	shalt  }
0x6f: {  	_ =	shalt  }
0x70: {  	_ =	shalt  }
0x71: {  	_ =	shalt  }
0x72: {  	_ =	shalt  }
0x73: {  	_ =	shalt  }
0x74: {  	_ =	shalt  }
0x75: {  	_ =	shalt  }
0x76: {  	_ =	shalt  }
0x77: {  	_ =	shalt  }
0x78: {  	_ =	shalt  }
0x79: {  	_ =	shalt  }
0x7a: {  	_ =	shalt  }
0x7b: {  	_ =	shalt  }
0x7c: {  	_ =	shalt  }
0x7d: {  	_ =	shalt  }
0x7e: {  	_ =	shalt  }
0x7f: {  	_ =	shalt  }
0x80: {  	_ =	shalt  }
0x81: {  	_ =	shalt  }
0x82: {  	_ =	shalt  }
0x83: {  	_ =	shalt  }
0x84: {  	_ =	shalt  }
0x85: {  	_ =	shalt  }
0x86: {  	_ =	shalt  }
0x87: {  	_ =	shalt  }
.Lfunc_end0:
.L_simem_size_0:
called_computation_lowered:
.L_overlay_start_0:
0x88: {  	s2 =	sld [smem:$0x3FD9]  }
0x89: {  	s3 =	sld [smem:$0x3FFE];
	_ =	sdelay $0x1  }
0x8a: {  	s1 =	srdreg.scid  }
0x8b: {  	s0 =	sand.u32 $0x1, s1  }
0x8c: {  	s16 =	sshll.u32 s0, $0xA;
	s2 =	sadd.s32 s3, s2  }
0x8d: {  	s2 =	sadd.s32 s2, s16  }
0x8e: {  	[smem:$0x3FC4] =	sst s2  }
0x8f: {  	_ = 	snop  }
0x90: {  	(tm) =	ssettm $0x1  }
0x91: {  	s17 =	sld [smem:$0x3FFB];
	_ =	sdelay $0x3  }
0x92: {  	_ =	strace s17  }
0x93: {  	s2 =	sld [smem:$0x3FFC];
	_ =	sdelay $0x3  }
0x94: {  	_ =	strace s2  }
0x95: {  	s2 =	sld [smem:$0x3FFD];
	_ =	sdelay $0x3  }
0x96: {  	_ =	strace s2  }
0x97: {  	_ =	strace $0x8FFFFFFF  }
0x98: {  	s18 =	sld [smem:$0x3FDB];
	_ =	sdelay $0x1  }
0x99: {  	s19 =	simm.s32 $_scs_section_size  }
0x9a: {  	s4 =	simm.s32 $_size__tile_overlayer_lowered;
	s5 =	simm.s32 $_tile_overlayer_lowered  }
0x9b: {  	s22 =	simm.s32 $0x1BFF;
	s21 =	sshll.u32 s5, $0x1;
	s2 =	sadd.s32 s19, s18  }
0x9c: {  	s6 =	simm.s32 $0x0;
	s20 =	sshll.u32 s4, $0x1;
	s4 =	sadd.s32 s21, s2  }
0x9d: {  	[timem:s6], [sflag:s22] =	dma.local [hbm:s4], s20  }
0x9e: {  	_ =	swait.ge [sflag:s22], s20  }
0x9f: {  	s3 =	ssub.s32 $0x0, s20;
	[sflag:s22] =	ssyncset.done $0x0  }
0xa0: {  	[sflag:s22] =	ssyncadd.s32 s3;
	_ =	sdelay $0x1  }
0xa1: {  	s23 =	simm.s32 $0x1B8B  }
0xa2: {  	_ =	swait.ge [sflag:s23], $0x1  }
0xa3: {  	[sflag:s23] =	ssyncset.done $0x0  }
0xa4: {  	s25 =	simm.s32 $0x1B8E;
	s24 =	sld [smem:$0x3FFE];
	[sflag:s23] =	ssyncadd.s32 $0xFFFFFFFF  }
0xa5: {  	s26 =	simm.s32 $execute0_lowered;
	[smem:$0x3FD2] =	sst s25  }
0xa6: {  	s4 =	sshll.u32 s26, $0x1;
	_ =	strace $0x80000046;
	[dreg:$0x1] =	wrdreg $0xFFFFFFFF  }
0xa7: {  	s28 =	simm.s32 $_size_execute0_lowered;
	s2 =	sadd.s32 s2, s4;
	[dreg:$0x0] =	wrdreg $0x0  }
0xa8: {  	s4 =	sshll.u32 s28, $0x1;
	[dreg:$0x2] =	wrdreg s2  }
0xa9: {  	[dreg:$0x3] =	wrdreg s4  }
0xaa: {  	[dreg:$0x4] =	wrdreg $0xC0  }
0xab: {  	_ =	task [dreg:s6], $0x5FFFF  }
0xac: {  	[dreg:$0x1] =	wrdreg $0xFFFFFFFF  }
0xad: {  	[dreg:$0x0] =	wrdreg $0x60  }
0xae: {  	[dreg:$0x2] =	wrdreg s24  }
0xaf: {  	[dreg:$0x3] =	wrdreg $0x9  }
0xb0: {  	_ =	task.clear_ibuf [dreg:s6], $0x4FFFF;
	_ =	strace $0x90000046  }
0xb1: {  	s29 =	simm.s32 $0x9;
	_ =	strace $0x80000048  }
0xb2: {  	_ =	swait.ge [sflag:s29], $0x1  }
0xb3: {  	[sflag:s29] =	ssyncadd.s32 $0xFFFFFFFF  }
0xb4: {  	_ =	strace $0x90000048  }
0xb5: {  	_ =	sfence  }
0xb6: {  	s30 =	sld [smem:$0x0];
	_ =	sdelay $0x2  }
0xb7: {  	s31 =	sshll.u32 s1, $0xD;
	s1 =	sshrl.u32 s1, $0x2  }
0xb8: {  	s3 =	sand.u32 $0x4000, s31;
	s1 =	sadd.s32 s1, s30  }
0xb9: {  	s0 =	sor.u32 s3, s0;
	s1 =	sshll.u32 s1, $0x11  }
0xba: {  	s0 =	sor.u32 s1, s0  }
0xbb: {  	s0 =	sadd.s32 $0x8F2B, s0  }
0xbc: {  	[sflag:s0] =	ssyncadd.remote.s32 $0x1  }
0xbd: {  	_ =	sfence.sel $0xFFFF  }
0xbe: {  	[dreg:$0x0] =	wrdreg $0xFFFFFFFF;
	(pc) =	sbr.abs _section_cstart, $3  }
0xbf: {  	[dreg:$0x1] =	wrdreg $0xFFFFFFFF  }
0xc0: {  	_ =	task.clear_ibuf [dreg:s6], $0x2FFFF;
	_ =	strace $0x9FFFFFFF  }
0xc1: {  	(tm) =	ssettm $0x7FFFFFFF  }
tec
execute0_lowered:
.L_overlay_start_1:
0x0: {  	(tag) =	ssettag $0x1  }
0x1: {  	v0 =	vimm.s32 $0xFEDCBA9  }
0x2: {  	v1 =	vimm.s32 $0x87654321;
	v2 =	vimm.s32 $0x10FEDCBA;
	v3 =	vimm.s32 $0x98765432  }
0x3: {  	v4 =	vimm.s32 $0x3210FEDC;
	v5 =	vimm.s32 $0xBA987654;
	v6 =	vimm.s32 $0xFEDCBA98  }
0x4: {  	v7 =	vimm.s32 $0x76543210;
	v0 =	vunpack.c.l.s4.s8 v0;
	v1 =	vunpack.c.l.s4.s8 v1  }
0x5: {  	s3 =	rddreg [dreg:$0x0];
	v2 =	vunpack.c.l.s4.s8 v2;
	v3 =	vunpack.c.l.s4.s8 v3;
	v4 =	vunpack.c.l.s4.s8 v4  }
0x6: {  	s0 =	rddreg [dreg:$0x1];
	s4 =	srdreg.scid;
	v5 =	vunpack.c.l.s4.s8 v5;
	v6 =	vunpack.c.l.s4.s8 v6;
	v7 =	vunpack.c.l.s4.s8 v7  }
0x7: {  	s2 =	simm.s32 $0x0;
	s1 =	stileid.u32;
	s4 =	sand.u32 $0x1, s4;
	v0 =	vunpack.c.0.s8.s32 v0;
	v1 =	vunpack.c.0.s8.s32 v1;
	v2 =	vunpack.c.0.s8.s32 v2  }
0x8: {  	s7 =	simm.s32 $0x8000;
	s5 =	sshll.u32 s1, $0xD;
	s6 =	sshll.u32 s4, $0xC;
	v3 =	vunpack.c.0.s8.s32 v3;
	v4 =	vunpack.c.0.s8.s32 v4;
	v5 =	vunpack.c.0.s8.s32 v5  }
0x9: {  	s8 =	simm.s32 $0x0;
	s4 =	ssub.s32 $0x2, s4;
	s5 =	sor.u32 s6, s5;
	v0 =	vcombine.low v1, v0;
	v1 =	vunpack.c.0.s8.s32 v6  }
0xa: {  	[smem:$0x7FF] =	sst s2;
	s31 =	sshrl.u32 s4, $0x1;
	s5 =	sadd.s32 s5, s3;
	v2 =	vcombine.low v3, v2;
	v3 =	vcombine.low v5, v4;
	v4 =	vunpack.c.0.s8.s32 v7  }
0xb: {  	_ =	strace $0x80000047;
	s6 =	ssub.s32 s4, s31;
	s3 =	sadd.s32 $0xE00, s5;
	v0 =	vand.u32 $0xF, v0;
	v5 =	vand.u32 $0xF, v1  }
0xc: {  	s4 =	sadd.s32 $0x20E00, s5;
	s5 =	smax.u32 s6, $0x1;
	s6 =	simm.s32 $0x1;
	v1 =	vand.u32 $0xF, v2;
	v2 =	vand.u32 $0xF, v3;
	v3 =	vcombine.low v5, v4  }
.LBB2_1:
0xd: {  	[tilespmem:s2], [sflag:$0x1] =	stream.linear.gather [hbm4b:s3+s2], $0x8000, $0x38;
	[tilespmem:$0x10000] =	vst v63  }
0xe: {  	_ =	swait.ge [sflag:s6], $0x8000  }
0xf: {  	[sflag:s6] =	ssyncset.done $0x0  }
0x10: {  	s9 =	simm.s32 $0x0;
	[sflag:s6] =	ssyncadd.s32 $0xFFFF8000  }
0x11: {  	v8 =	vld [tilespmem:s9+$0x0];
	_ =	sdelay $0x4  }
0x12: {  	v4 =	vperm.xlane v8, v0;
	_ =	sdelay $0x1  }
0x13: {  	s10 =	simm.s32 $0x80;
	v4 =	vmax.f32 v8, v4  }
0x14: {  	v9 =	vld [tilespmem:s10+$0x0];
	v5 =	vperm.xlane v4, v1;
	_ =	sdelay $0x1  }
0x15: {  	v4 =	vmax.f32 v4, v5  }
0x16: {  	v5 =	vperm.xlane v4, v2;
	_ =	sdelay $0x1  }
0x17: {  	v6 =	vperm.xlane v9, v0;
	v4 =	vmax.f32 v4, v5  }
0x18: {  	v5 =	vperm.xlane v4, v3  }
0x19: {  	v6 =	vmax.f32 v9, v6  }
0x1a: {  	v7 =	vperm.xlane v6, v1;
	v4 =	vmax.f32 v4, v5  }
0x1b: {  	v5 =	vsub.f32 v8, v4  }
0x1c: {  	v6 =	vmax.f32 v6, v7  }
0x1d: {  	v7 =	vperm.xlane v6, v2;
	v5 =	vmul.f32 $1.442695020e+00, v5;
	_ =	sdelay $0x1  }
0x1e: {  	v6 =	vmax.f32 v6, v7;
	(erf) = vpow2.f32 v5  }
0x1f: {  	s11 =	simm.s32 $0x100;
	v7 =	vperm.xlane v6, v3  }
0x20: {  	v5 =	vld [tilespmem:s11+$0x0]  }
0x21: {  	v6 =	vmax.f32 v6, v7;
	vm0 =	veq.f32 v8, v4  }
0x22: {  	v10 =	vsub.f32 v9, v6;
	v7 =	vsel vm0, $0xFF800000, v8  }
0x23: {  	v12 =	vperm.xlane v7, v0  }
0x24: {  	v10 =	vmul.f32 $1.442695020e+00, v10  }
0x25: {  	v7 =	vmax.f32 v7, v12;
	v4 =	vperm.xlane v5, v0  }
0x26: {  	s12 =	simm.s32 $0x180;
	(erf) = vpow2.f32 v10;
	v10 =	vperm.xlane v7, v1  }
0x27: {  	v11 =	vmax.f32 v5, v4;
	v4 =	vld [tilespmem:s12+$0x0];
	v16 =	vpop (erf)  }
0x28: {  	v7 =	vmax.f32 v7, v10;
	v13 =	vperm.xlane v11, v1;
	v14 =	vperm.xlane v16, v0  }
0x29: {  	vm0 =	veq.f32 v9, v6;
	v17 =	vperm.xlane v7, v2  }
0x2a: {  	v11 =	vmax.f32 v11, v13;
	v13 =	vsel vm0, $0xFF800000, v9;
	v6 =	vadd.f32 v14, v16  }
0x2b: {  	v10 =	vperm.xlane v13, v0;
	v14 =	vperm.xlane v11, v2  }
0x2c: {  	v7 =	vmax.f32 v7, v17;
	v12 =	vperm.xlane v4, v0;
	v15 =	vperm.xlane v6, v1  }
0x2d: {  	v17 =	vperm.xlane v7, v3;
	v10 =	vmax.f32 v13, v10;
	v11 =	vmax.f32 v11, v14  }
0x2e: {  	v12 =	vmax.f32 v4, v12;
	v13 =	vadd.f32 v15, v6;
	v6 =	vperm.xlane v11, v3  }
0x2f: {  	s13 =	simm.s32 $0x200;
	v17 =	vmax.f32 v7, v17;
	v14 =	vperm.xlane v12, v1;
	v15 =	vperm.xlane v10, v1  }
0x30: {  	vm1 =	vge.f32 v8, v17;
	v18 =	vperm.xlane v13, v2;
	v11 =	vmax.f32 v11, v6;
	v6 =	vld [tilespmem:s13+$0x0]  }
0x31: {  	v12 =	vmax.f32 v12, v14;
	v10 =	vmax.f32 v10, v15;
	v14 =	vsub.f32 v5, v11  }
0x32: {  	v7 =	vpop (erf);
	v15 =	vperm.xlane v10, v2;
	vm0 =	veq.f32 v5, v11;
	v13 =	vadd.f32 v18, v13  }
0x33: {  	v8 =	vsel vm0, $0xFF800000, v5;
	v11 =	vmul.f32 $1.442695020e+00, v14;
	v14 =	vperm.xlane v7, v0  }
0x34: {  	v18 =	vperm.xlane v8, v0;
	v10 =	vmax.f32 v10, v15;
	v17 =	vperm.xlane v13, v3  }
0x35: {  	(erf) = vpow2.f32 v11;
	v11 =	vadd.f32 v14, v7;
	v14 =	vperm.xlane v6, v0  }
0x36: {  	v15 =	vmax.f32 v8, v18;
	v13 =	vadd.f32 v17, v13;
	v17 =	vperm.xlane v12, v2  }
0x37: {  	v19 =	vperm.xlane v15, v1;
	v18 =	vperm.xlane v11, v1  }
0x38: {  	v14 =	vmax.f32 v6, v14;
	(erf) = vrcp.f32 v13;
	v17 =	vmax.f32 v12, v17  }
0x39: {  	s14 =	simm.s32 $0x280;
	v13 =	vperm.xlane v14, v1;
	v11 =	vadd.f32 v18, v11;
	v18 =	vperm.xlane v17, v3  }
0x3a: {  	v20 =	vperm.xlane v10, v3;
	v8 =	vld [tilespmem:s14+$0x0]  }
0x3b: {  	v15 =	vmax.f32 v15, v19;
	v12 =	vmax.f32 v14, v13;
	v17 =	vmax.f32 v17, v18  }
0x3c: {  	v13 =	vperm.xlane v15, v2;
	vm2 =	veq.f32 v4, v17;
	v17 =	vsub.f32 v4, v17  }
0x3d: {  	v10 =	vmax.f32 v10, v20;
	v14 =	vperm.xlane v11, v2  }
0x3e: {  	vm0 =	vge.f32 v9, v10;
	v10 =	vmax.f32 v15, v13;
	v13 =	vmul.f32 $1.442695020e+00, v17  }
0x3f: {  	v14 =	vadd.f32 v14, v11;
	v11 =	vperm.xlane v8, v0;
	v9 =	vpop (erf)  }
0x40: {  	vm1 =	vmmov vm1;
	v18 =	vsel vm2, $0xFF800000, v4;
	v15 =	vperm.xlane v9, v0  }
0x41: {  	v17 =	vmax.f32 v8, v11;
	v11 =	vperm.xlane v18, v0;
	v19 =	vperm.xlane v14, v3  }
0x42: {  	v20 =	vperm.xlane v17, v1;
	(erf) = vpow2.f32 v13;
	v15 =	vadd.f32 v15, v9;
	v13 =	vpop (erf)  }
0x43: {  	v11 =	vmax.f32 v18, v11;
	v14 =	vadd.f32 v19, v14;
	v13 =	vmul.f32 v13, v16  }
0x44: {  	s15 =	simm.s32 $0xC00;
	v16 =	vmax.f32 v17, v20;
	v17 =	vperm.xlane v12, v2;
	v18 =	vperm.xlane v15, v1  }
.LBB2_2:
0x45: {  	s16 =	sshra.s32 s15, $0x2;
	p0 =	sne.s32 s15, $0x1FE00;
	s15 =	sadd.s32 $0x200, s15;
	v19 =	vperm.xlane v11, v1;
	(erf) = vrcp.f32 v14;
	v13 =	vnsel vm1, $0x0, v13  }
0x46: {  	v20 =	vperm.xlane v10, v3;
	v14 =	vld [tilespmem:s16+$0x0];
	v17 =	vmax.f32 v12, v17;
	v15 =	vadd.f32 v18, v15;
	[tilespmem:s9+$0x8000] =	vst v13;
	s9 =	smov.u32 s10;
	s10 =	smov.u32 s11;
	s11 =	smov.u32 s12  }
0x47: {  	vm1 =	vmmov vm0;
	v12 =	vmovc v16;
	s12 =	smov.u32 s13;
	s13 =	smov.u32 s14;
	s14 =	smov.u32 s16;
	v13 =	vperm.xlane v17, v3;
	v11 =	vmax.f32 v11, v19  }
0x48: {  	v10 =	vmax.f32 v10, v20;
	v16 =	vperm.xlane v11, v2;
	v18 =	vperm.xlane v15, v2  }
0x49: {  	vm0 =	vge.f32 v5, v10;
	v5 =	vmovc v4;
	v4 =	vmovc v6;
	v6 =	vmov v8;
	v13 =	vmax.f32 v17, v13  }
0x4a: {  	vm2 =	veq.f32 v4, v13;
	v20 =	vsub.f32 v4, v13;
	v13 =	vadd.f32 v18, v15  }
0x4b: {  	v10 =	vmax.f32 v11, v16;
	v15 =	vperm.xlane v14, v0;
	v17 =	vsel vm2, $0xFF800000, v4;
	v19 =	vpop (erf)  }
.Ltmp0:
0x4c: {  	v8 =	vmov v14;
	v11 =	vmul.f32 $1.442695020e+00, v20;
	v22 =	vperm.xlane v19, v0;
	(pc) =	sbr.rel @p0 .LBB2_2-.Ltmp0, $4  }
0x4d: {  	v14 =	vperm.xlane v17, v0;
	v20 =	vperm.xlane v13, v3;
	v18 =	vmax.f32 v8, v15  }
0x4e: {  	v21 =	vperm.xlane v18, v1;
	(erf) = vpow2.f32 v11;
	v15 =	vadd.f32 v22, v19;
	v16 =	vpop (erf)  }
0x4f: {  	v11 =	vmax.f32 v17, v14;
	v14 =	vadd.f32 v20, v13;
	v13 =	vmul.f32 v16, v7;
	v7 =	vmovc v9  }
0x50: {  	v17 =	vperm.xlane v12, v2;
	v9 =	vmovc v19;
	v16 =	vmax.f32 v18, v21;
	v18 =	vperm.xlane v15, v1  }
0x51: {  	_ = 	snop  }
0x52: {  	v15 =	vadd.f32 v18, v15  }
0x53: {  	v26 =	vperm.xlane v16, v2;
	v12 =	vmax.f32 v12, v17  }
0x54: {  	v27 =	vperm.xlane v12, v3;
	v19 =	vperm.xlane v15, v2  }
0x55: {  	v16 =	vmax.f32 v16, v26  }
0x56: {  	v17 =	vperm.xlane v16, v3;
	v12 =	vmax.f32 v12, v27;
	v15 =	vadd.f32 v19, v15  }
0x57: {  	v18 =	vsub.f32 v6, v12  }
0x58: {  	v16 =	vmax.f32 v16, v17;
	v19 =	vperm.xlane v15, v3  }
0x59: {  	v29 =	vsub.f32 v8, v16;
	v28 =	vmul.f32 $1.442695020e+00, v18  }
0x5a: {  	(erf) = vrcp.f32 v14;
	v30 =	vadd.f32 v19, v15  }
0x5b: {  	v31 =	vmul.f32 $1.442695020e+00, v29;
	(erf) = vpow2.f32 v28  }
0x5c: {  	(erf) = vrcp.f32 v30  }
0x5d: {  	(erf) = vpow2.f32 v31;
	_ =	sdelay $0x4  }
0x5e: {  	v32 =	vpop (erf)  }
0x5f: {  	v33 =	vpop (erf)  }
0x60: {  	v35 =	vpop (erf)  }
0x61: {  	v34 =	vperm.xlane v32, v0;
	v36 =	vpop (erf)  }
0x62: {  	v20 =	vperm.xlane v35, v0;
	v21 =	vpop (erf)  }
0x63: {  	v17 =	vadd.f32 v34, v32;
	v22 =	vperm.xlane v21, v0  }
0x64: {  	v20 =	vadd.f32 v20, v35  }
0x65: {  	v23 =	vperm.xlane v17, v1;
	v22 =	vadd.f32 v22, v21  }
0x66: {  	v37 =	vperm.xlane v20, v1  }
0x67: {  	v39 =	vperm.xlane v10, v3;
	v17 =	vadd.f32 v23, v17;
	v24 =	vperm.xlane v22, v1  }
0x68: {  	v20 =	vadd.f32 v37, v20  }
0x69: {  	v10 =	vmax.f32 v10, v39;
	v38 =	vperm.xlane v17, v2;
	v22 =	vadd.f32 v24, v22  }
0x6a: {  	vm8 =	vge.f32 v5, v10;
	vm2 =	veq.f32 v6, v12;
	v40 =	vperm.xlane v20, v2  }
0x6b: {  	vm7 =	veq.f32 v8, v16;
	v17 =	vadd.f32 v38, v17;
	v41 =	vperm.xlane v22, v2  }
0x6c: {  	v44 =	vsel vm2, $0xFF800000, v6;
	v46 =	vsel vm7, $0xFF800000, v8;
	v42 =	vadd.f32 v40, v20  }
0x6d: {  	v5 =	vperm.xlane v44, v0;
	v43 =	vperm.xlane v17, v3;
	v45 =	vadd.f32 v41, v22  }
0x6e: {  	v50 =	vperm.xlane v46, v0;
	v47 =	vperm.xlane v42, v3  }
0x6f: {  	v5 =	vmax.f32 v44, v5;
	v17 =	vadd.f32 v43, v17;
	v48 =	vperm.xlane v45, v3  }
0x70: {  	v49 =	vperm.xlane v11, v1;
	v51 =	vperm.xlane v5, v1;
	v12 =	vadd.f32 v47, v42  }
0x71: {  	v16 =	vmax.f32 v46, v50;
	(erf) = vrcp.f32 v17;
	v10 =	vadd.f32 v48, v45  }
0x72: {  	v53 =	vperm.xlane v16, v1;
	v5 =	vmax.f32 v5, v51;
	(erf) = vrcp.f32 v12  }
0x73: {  	v11 =	vmax.f32 v11, v49;
	v54 =	vperm.xlane v5, v2;
	(erf) = vrcp.f32 v10  }
0x74: {  	v52 =	vperm.xlane v11, v2  }
0x75: {  	v13 =	vnsel vm1, $0x0, v13;
	v5 =	vmax.f32 v5, v54;
	v12 =	vmax.f32 v16, v53  }
0x76: {  	v57 =	vperm.xlane v5, v3;
	v56 =	vperm.xlane v12, v2;
	v10 =	vmax.f32 v11, v52  }
0x77: {  	vm0 =	vmmov vm0;
	v7 =	vmul.f32 v33, v7;
	v55 =	vperm.xlane v10, v3  }
0x78: {  	vm9 =	vmmov vm8;
	v5 =	vmax.f32 v5, v57;
	v59 =	vmax.f32 v12, v56  }
0x79: {  	v7 =	vnsel vm0, $0x0, v7;
	v11 =	vperm.xlane v59, v3;
	v10 =	vmax.f32 v10, v55  }
0x7a: {  	vm12 =	vge.f32 v6, v5;
	v58 =	vpop (erf);
	vm10 =	vge.f32 v4, v10;
	v4 =	vmul.f32 v36, v9  }
0x7b: {  	[tilespmem:s9+$0x8000] =	vst v13;
	vm13 =	vmmov vm12;
	v60 =	vmul.f32 v58, v32;
	v62 =	vmax.f32 v59, v11;
	v5 =	vpop (erf)  }
0x7c: {  	[tilespmem:s10+$0x8000] =	vst v7;
	vm11 =	vmmov vm10;
	v4 =	vnsel vm9, $0x0, v4;
	v5 =	vmul.f32 v5, v35;
	v63 =	vpop (erf)  }
0x7d: {  	vm14 =	vge.f32 v8, v62;
	v61 =	vnsel vm11, $0x0, v60;
	[tilespmem:s11+$0x8000] =	vst v4;
	v4 =	vmul.f32 v63, v21  }
0x7e: {  	s8 =	sadd.s32 $0x1, s8;
	vm15 =	vmmov vm14;
	[tilespmem:s12+$0x8000] =	vst v61;
	v5 =	vnsel vm13, $0x0, v5  }
0x7f: {  	p0 =	sne.s32 s8, s5;
	[tilespmem:s13+$0x8000] =	vst v5;
	v4 =	vnsel vm15, $0x0, v4  }
.Ltmp1:
0x80: {  	[tilespmem:s14+$0x8000] =	vst v4;
	(pc) =	sbr.rel @p0 .LBB2_1-.Ltmp1, $4  }
0x81: {  	[hbm4b:s4+s2] =	stream.linear.scatter [tilespmem:s7], [sflag:$0x1], $0x8000, $0x38;
	[tilespmem:$0x10000] =	vst v63  }
0x82: {  	_ =	swait.ge [sflag:s6], $0x8000  }
0x83: {  	[sflag:s6] =	ssyncset.done $0x0  }
0x84: {  	[sflag:s6] =	ssyncadd.s32 $0xFFFF8000  }
0x85: {  	_ =	sfence.sel $0x180000  }
0x86: {  	[bflag:$0x0] =	sbarrier.arrive $0xFFFF  }
0x87: {  	p0 =	sne.s32 s1, $0x0;
	_ =	strace $0x90000047  }
0x88: {  	s0 =	sadd.s32 @!p0 $0x100000, s0;
	[bflag:$0x2] =	sbarrier.arrive $0xFFFF  }
0x89: {  	[sflag:s0] =	ssyncadd.tile.s32 @!p0 $0x1;
	_ =	shalt  }
.Lfunc_end2:
_tile_overlayer_lowered:
.L_overlay_start_2:
0x8a: {  	(tag) =	ssettag $0x2  }
0x8b: {  	s0 =	rddreg [dreg:$0x0];
	s2 =	stileid.u32  }
0x8c: {  	s1 =	rddreg [dreg:$0x1];
	p0 =	sne.s32 s2, $0x0  }
0x8d: {  	s3 =	rddreg [dreg:$0x2];
	[bflag:$0x3] =	sbarrier.arrive $0xFFFF;
	s2 =	simm.s32 @!p0 $0x1C01  }
0x8e: {  	[timem:s3], [sflag:s2] =	dma.local @!p0 [hbm:s0], s1  }
0x8f: {  	s0 =	simm.s32 @!p0 $0x1  }
0x90: {  	_ =	swait.ge @!p0 [sflag:s0], s1  }
0x91: {  	s1 =	ssub.s32 @!p0 $0x0, s1;
	[sflag:s0] =	ssyncset.done @!p0 $0x0  }
0x92: {  	[sflag:s0] =	ssyncadd.s32 @!p0 s1  }
0x93: {  	[bflag:$0x3] =	sbarrier.arrive $0xFFFF  }
0x94: {  	_ =	shalt  }

</sc_bundles>
